<compile_context>
chip_gen: v7x
topology: tpu7x:2x2x1
jax: 0.10.2.dev20260603
libtpu: 0.0.44.dev20260713+nightly
codegen_flags: <defaults>
</compile_context>

<pallas_src>
import functools

import jax
import jax.numpy as jnp
from jax.experimental import pallas as pl
from jax.experimental.pallas import tpu as pltpu
from jax.experimental.pallas import tpu_sc as plsc

_Q = 1024
_D = 16
_K = 5
_C = 4096


def _knn_body(x2_ref, xt_ref, ma_ref, mo_ref, tq_ref, out_ref,
              s1_ref, s2_ref, s3_ref, s4_ref, *, nsteps):
    j = pl.program_id(0)
    inf = jnp.float32(jnp.inf)

    @pl.when(j == 0)
    def _init():
        full = jnp.full((_Q, 128), jnp.inf, dtype=jnp.float32)
        s1_ref[...] = full
        s2_ref[...] = full
        s3_ref[...] = full
        s4_ref[...] = full

    x2 = x2_ref[...]
    xt = xt_ref[...]
    m_and = ma_ref[...]
    m_or = mo_ref[...]
    tq = tq_ref[...]

    cross2 = jax.lax.dot_general(
        x2, xt, dimension_numbers=(((1,), (1,)), ((), ())),
        preferred_element_type=jnp.float32)
    xsq = 0.25 * jnp.sum(x2 * x2, axis=1, keepdims=True)
    d2 = (cross2 + xsq) + tq

    ki = jax.lax.bitcast_convert_type(d2, jnp.int32)
    ki = jnp.bitwise_or(jnp.bitwise_and(ki, m_and), m_or)
    keys = jax.lax.bitcast_convert_type(ki, jnp.float32)

    h = _C // 2
    a, b = keys[:, :h], keys[:, h:]
    m1 = jnp.minimum(a, b)
    m2 = jnp.maximum(a, b)
    while h > 128:
        h //= 2
        a1, b1 = m1[:, :h], m1[:, h:]
        a2, b2 = m2[:, :h], m2[:, h:]
        m2 = jnp.minimum(jnp.maximum(a1, b1), jnp.minimum(a2, b2))
        m1 = jnp.minimum(a1, b1)

    a1, a2, a3, a4 = s1_ref[...], s2_ref[...], s3_ref[...], s4_ref[...]
    c1 = jnp.minimum(a1, m1)
    c2 = jnp.minimum(jnp.minimum(a2, jnp.maximum(a1, m1)), m2)
    c3 = jnp.minimum(a3, jnp.minimum(jnp.maximum(a2, m1), jnp.maximum(a1, m2)))
    c4 = jnp.minimum(a4, jnp.minimum(jnp.maximum(a3, m1), jnp.maximum(a2, m2)))
    s1_ref[...] = c1
    s2_ref[...] = c2
    s3_ref[...] = c3
    s4_ref[...] = c4

    @pl.when(j == nsteps - 1)
    def _finish():
        out_ref[...] = jnp.concatenate([c1, c2, c3, c4], axis=1)




_NC = 2
_NS = 16
_NW = _NC * _NS
_QPW = _Q // _NW
_CAND = 512


def _sc_vote_body(cand_hbm, out_hbm, slab_v, out_v):
    wid = jax.lax.axis_index("s") * _NC + jax.lax.axis_index("c")
    base = wid * _QPW
    pltpu.sync_copy(cand_hbm.at[pl.ds(wid * _QPW * _CAND, _QPW * _CAND)],
                    slab_v)
    inf = jnp.full((16,), jnp.inf, dtype=jnp.float32)

    def rbody(r, carry):
        for u in range(4):
            new = []
            for h in range(2):
                ts = carry[h * _K:(h + 1) * _K]
                a = slab_v[pl.ds((4 * r + u) * _QPW + h * 16, 16)]
                for t in ts:
                    new.append(jnp.minimum(t, a))
                    a = jnp.maximum(t, a)
            carry = tuple(new)
        return carry

    tops = jax.lax.fori_loop(0, _CAND // 4, rbody, (inf,) * (2 * _K))
    for h in range(2):
        for i, t in enumerate(tops[h * _K:(h + 1) * _K]):
            out_v[pl.ds((i * 2 + h) * 16, 16)] = t
    pltpu.sync_copy(out_v, out_hbm.at[pl.ds(base * _K, _QPW * _K)])


def _sc_merge(cand_flat):
    mesh = plsc.VectorSubcoreMesh(core_axis_name="c", subcore_axis_name="s")
    f = functools.partial(
        pl.kernel,
        mesh=mesh,
        out_type=jax.ShapeDtypeStruct((_Q * _K,), jnp.float32),
        scratch_types=[
            pltpu.VMEM((_QPW * _CAND,), jnp.float32),
            pltpu.VMEM((_QPW * _K,), jnp.float32),
        ],
    )(_sc_vote_body)
    return f(cand_flat)




@jax.jit
def kernel(x, X_train, y_train):
    n = X_train.shape[0]
    nc = (n + _C - 1) // _C
    npad = nc * _C - n
    m_and = jnp.pad(jnp.full((1, n), -2, dtype=jnp.int32), ((0, 0), (0, npad)))
    m_or = jnp.pad(y_train[None, :], ((0, 0), (0, npad)),
                   constant_values=0x7F7FFFFF)
    tqp = jnp.pad(jnp.sum(X_train * X_train, axis=1)[None, :],
                  ((0, 0), (0, npad)))
    x2 = x.reshape(_Q, _D) * jnp.float32(-2.0)

    out = pl.pallas_call(
        functools.partial(_knn_body, nsteps=nc),
        grid=(nc,),
        in_specs=[
            pl.BlockSpec((_Q, _D), lambda j: (0, 0)),
            pl.BlockSpec((_C, _D), lambda j: (j, 0)),
            pl.BlockSpec((1, _C), lambda j: (0, j)),
            pl.BlockSpec((1, _C), lambda j: (0, j)),
            pl.BlockSpec((1, _C), lambda j: (0, j)),
        ],
        out_specs=pl.BlockSpec((_Q, 512), lambda j: (0, 0)),
        out_shape=jax.ShapeDtypeStruct((_Q, 512), jnp.float32),
        scratch_shapes=[pltpu.VMEM((_Q, 128), jnp.float32)] * 4,
    )(x2, X_train, m_and, m_or, tqp)
    candw = out.reshape(_NW, _QPW, 512).transpose(0, 2, 1)
    top5 = _sc_merge(candw.reshape(-1))
    bits = jnp.bitwise_and(
        jax.lax.bitcast_convert_type(top5, jnp.int32), jnp.int32(1))
    votes = jnp.sum(bits.reshape(_NW, _K, _QPW), axis=1).reshape(_Q, 1)
    return (votes > _K // 2).astype(jnp.float32)

# --- scband reference (transcript-rebuilt; emitter-appended) ---
"""Pipeline reference for scband-knnclassifier-61057255080323 (READ-ONLY COPY).

The authoritative reference and input builder live on the scoring server;
editing this copy changes nothing except your own understanding.
"""

import jax, jax.numpy as jnp
import numpy as np

Q = 1024
N_TRAIN = 100000
D = 16
K_NEIGH = 5

def setup_inputs(seed: int = 0) -> dict:
    key = jax.random.key(seed)
    k1, k2, k3 = jax.random.split(key, 3)
    x = jax.random.normal(k1, (Q, D), dtype=jnp.float32)
    # Fitted state of the KNN model (produced by fit(X, y) in the torch module):
    X_train = jax.random.normal(k2, (N_TRAIN, D), dtype=jnp.float32)
    y_train = jax.random.randint(k3, (N_TRAIN,), 0, 2, dtype=jnp.int32)
    return {"x": x, "X_train": X_train, "y_train": y_train}

def reference(x, X_train, y_train):
    # KNeighborsClassifier.predict with Euclidean metric and uniform weights,
    # binary labels {0,1}, majority vote over the k nearest training points.
    x = x.reshape(x.shape[0], -1)
    x_sq = jnp.sum(x * x, axis=1, keepdims=True)                # [Q, 1]
    t_sq = jnp.sum(X_train * X_train, axis=1)[None, :]           # [1, N]
    d2 = x_sq - 2.0 * (x @ X_train.T) + t_sq                     # [Q, N] squared distances
    _, nn_idx = jax.lax.top_k(-d2, K_NEIGH)                      # indices of k smallest distances
    nn_labels = jnp.take(y_train, nn_idx, axis=0)                # [Q, k] gather labels
    votes = jnp.sum(nn_labels, axis=1)                           # [Q]
    pred = (votes > (K_NEIGH // 2)).astype(jnp.float32)          # majority vote (k odd -> no ties)
    return pred[:, None]                                         # [Q, 1] matches unsqueeze(1)

if __name__ == "__main__":
    import jax
    _d = setup_inputs()
    print(jax.jit(kernel)(*tuple(_d.values())))

</pallas_src>

<mosaic_0001>
#map = affine_map<(d0, d1) -> (0)>
module attributes {stable_mosaic.version = 14 : i64} {
  func.func @_sc_vote_body(%arg0: i32, %arg1: i32, %arg2: memref<524288xf32, #tpu.memory_space<hbm>>, %arg3: memref<5120xf32, #tpu.memory_space<hbm>>, %arg4: memref<16384xf32, #tpu.memory_space<vmem>>, %arg5: memref<160xf32, #tpu.memory_space<vmem>>) attributes {dimension_semantics = [#tpu.dimension_semantics<core_parallel>, #tpu.dimension_semantics<subcore_parallel>], iteration_bounds = array<i64: 2, 16>, scalar_prefetch = 0 : i64, scratch_operands = 2 : i64, tpu.core_type = #tpu.core_type<sc_vector_subcore>, window_params = [{transform_indices = #map}, {transform_indices = #map}]} {
    %mul3A = arith.constant 2 : i32
    %mul3A_0 = arith.muli %arg1, %mul3A : i32
    %add3A = arith.addi %mul3A_0, %arg0 : i32
    %mul3A_1 = arith.constant 32 : i32
    %mul3A_2 = arith.muli %add3A, %mul3A_1 : i32
    %mul3A_3 = arith.constant 32 : i32
    %mul3A_4 = arith.muli %add3A, %mul3A_3 : i32
    %mul3A_5 = arith.constant 512 : i32
    %mul3A_6 = arith.muli %mul3A_4, %mul3A_5 : i32
    "tpu.region"() ({
      %run_scoped3A = tpu.sem_alloc : memref<!tpu.dma_semaphore, #tpu.memory_space<semaphore_mem>>
      %dma_start3A = tpu.memref_slice %arg2[%mul3A_6] : memref<524288xf32, #tpu.memory_space<hbm>> -> memref<16384xf32, #tpu.memory_space<hbm>>
      %dma_start3A_54 = tpu.memref_slice %arg2[%mul3A_6] : memref<524288xf32, #tpu.memory_space<hbm>> -> memref<16384xf32, #tpu.memory_space<hbm>>
      tpu.enqueue_dma source(%dma_start3A_54 : memref<16384xf32, #tpu.memory_space<hbm>>) target(%arg4 : memref<16384xf32, #tpu.memory_space<vmem>>) target_semaphore(%run_scoped3A : memref<!tpu.dma_semaphore, #tpu.memory_space<semaphore_mem>>)
      %dma_wait3A = tpu.memref_slice %arg2[%mul3A_6] : memref<524288xf32, #tpu.memory_space<hbm>> -> memref<16384xf32, #tpu.memory_space<hbm>>
      %dma_wait3A_55 = tpu.memref_slice %arg2[%mul3A_6] : memref<524288xf32, #tpu.memory_space<hbm>> -> memref<16384xf32, #tpu.memory_space<hbm>>
      tpu.wait_dma2 semaphore(%run_scoped3A : memref<!tpu.dma_semaphore, #tpu.memory_space<semaphore_mem>>) src(%dma_wait3A_55 : memref<16384xf32, #tpu.memory_space<hbm>>) dst(%arg4 : memref<16384xf32, #tpu.memory_space<vmem>>)
      tpu.yield
    }) : () -> ()
    %broadcast_in_dim3A = arith.constant 0x7F800000 : f32
    %broadcast_in_dim3A_7 = vector.broadcast %broadcast_in_dim3A : f32 to vector<16xf32>
    %scan3A = arith.constant 0 : i32
    %scan3A_8 = arith.constant 128 : i32
    %scan3A_9 = arith.addi %scan3A, %scan3A_8 : i32
    %scan3A_10 = arith.constant 1 : i32
    %scan3A_11:10 = scf.for %scan3A_54 = %scan3A to %scan3A_9 step %scan3A_10 iter_args(%scan3A_55 = %broadcast_in_dim3A_7, %scan3A_56 = %broadcast_in_dim3A_7, %scan3A_57 = %broadcast_in_dim3A_7, %scan3A_58 = %broadcast_in_dim3A_7, %scan3A_59 = %broadcast_in_dim3A_7, %scan3A_60 = %broadcast_in_dim3A_7, %scan3A_61 = %broadcast_in_dim3A_7, %scan3A_62 = %broadcast_in_dim3A_7, %scan3A_63 = %broadcast_in_dim3A_7, %scan3A_64 = %broadcast_in_dim3A_7) -> (vector<16xf32>, vector<16xf32>, vector<16xf32>, vector<16xf32>, vector<16xf32>, vector<16xf32>, vector<16xf32>, vector<16xf32>, vector<16xf32>, vector<16xf32>)  : i32 {
      %mul3A_65 = arith.constant 4 : i32
      %mul3A_66 = arith.muli %mul3A_65, %scan3A_54 : i32
      %add3A_67 = arith.constant 0 : i32
      %add3A_68 = arith.addi %mul3A_66, %add3A_67 : i32
      %mul3A_69 = arith.constant 32 : i32
      %mul3A_70 = arith.muli %add3A_68, %mul3A_69 : i32
      %add3A_71 = arith.constant 0 : i32
      %add3A_72 = arith.addi %mul3A_70, %add3A_71 : i32
      %get3A = arith.index_cast %add3A_72 : i32 to index
      %get3A_73 = tpu.vector_load %arg4[%get3A] {strides = array<i32>} : memref<16384xf32, #tpu.memory_space<vmem>>, vector<16xf32>,
      %get3A_74 = vector.shape_cast %get3A_73 : vector<16xf32> to vector<16xf32>
      %min3A = arith.minimumf %scan3A_55, %get3A_74 : vector<16xf32>
      %max3A = arith.maximumf %scan3A_55, %get3A_74 : vector<16xf32>
      %min3A_75 = arith.minimumf %scan3A_56, %max3A : vector<16xf32>
      %max3A_76 = arith.maximumf %scan3A_56, %max3A : vector<16xf32>
      %min3A_77 = arith.minimumf %scan3A_57, %max3A_76 : vector<16xf32>
      %max3A_78 = arith.maximumf %scan3A_57, %max3A_76 : vector<16xf32>
      %min3A_79 = arith.minimumf %scan3A_58, %max3A_78 : vector<16xf32>
      %max3A_80 = arith.maximumf %scan3A_58, %max3A_78 : vector<16xf32>
      %min3A_81 = arith.minimumf %scan3A_59, %max3A_80 : vector<16xf32>
      %max3A_82 = arith.maximumf %scan3A_59, %max3A_80 : vector<16xf32>
      %mul3A_83 = arith.constant 4 : i32
      %mul3A_84 = arith.muli %mul3A_83, %scan3A_54 : i32
      %add3A_85 = arith.constant 0 : i32
      %add3A_86 = arith.addi %mul3A_84, %add3A_85 : i32
      %mul3A_87 = arith.constant 32 : i32
      %mul3A_88 = arith.muli %add3A_86, %mul3A_87 : i32
      %add3A_89 = arith.constant 16 : i32
      %add3A_90 = arith.addi %mul3A_88, %add3A_89 : i32
      %get3A_91 = arith.index_cast %add3A_90 : i32 to index
      %get3A_92 = tpu.vector_load %arg4[%get3A_91] {strides = array<i32>} : memref<16384xf32, #tpu.memory_space<vmem>>, vector<16xf32>,
      %get3A_93 = vector.shape_cast %get3A_92 : vector<16xf32> to vector<16xf32>
      %min3A_94 = arith.minimumf %scan3A_60, %get3A_93 : vector<16xf32>
      %max3A_95 = arith.maximumf %scan3A_60, %get3A_93 : vector<16xf32>
      %min3A_96 = arith.minimumf %scan3A_61, %max3A_95 : vector<16xf32>
      %max3A_97 = arith.maximumf %scan3A_61, %max3A_95 : vector<16xf32>
      %min3A_98 = arith.minimumf %scan3A_62, %max3A_97 : vector<16xf32>
      %max3A_99 = arith.maximumf %scan3A_62, %max3A_97 : vector<16xf32>
      %min3A_100 = arith.minimumf %scan3A_63, %max3A_99 : vector<16xf32>
      %max3A_101 = arith.maximumf %scan3A_63, %max3A_99 : vector<16xf32>
      %min3A_102 = arith.minimumf %scan3A_64, %max3A_101 : vector<16xf32>
      %max3A_103 = arith.maximumf %scan3A_64, %max3A_101 : vector<16xf32>
      %mul3A_104 = arith.constant 4 : i32
      %mul3A_105 = arith.muli %mul3A_104, %scan3A_54 : i32
      %add3A_106 = arith.constant 1 : i32
      %add3A_107 = arith.addi %mul3A_105, %add3A_106 : i32
      %mul3A_108 = arith.constant 32 : i32
      %mul3A_109 = arith.muli %add3A_107, %mul3A_108 : i32
      %add3A_110 = arith.constant 0 : i32
      %add3A_111 = arith.addi %mul3A_109, %add3A_110 : i32
      %get3A_112 = arith.index_cast %add3A_111 : i32 to index
      %get3A_113 = tpu.vector_load %arg4[%get3A_112] {strides = array<i32>} : memref<16384xf32, #tpu.memory_space<vmem>>, vector<16xf32>,
      %get3A_114 = vector.shape_cast %get3A_113 : vector<16xf32> to vector<16xf32>
      %min3A_115 = arith.minimumf %min3A, %get3A_114 : vector<16xf32>
      %max3A_116 = arith.maximumf %min3A, %get3A_114 : vector<16xf32>
      %min3A_117 = arith.minimumf %min3A_75, %max3A_116 : vector<16xf32>
      %max3A_118 = arith.maximumf %min3A_75, %max3A_116 : vector<16xf32>
      %min3A_119 = arith.minimumf %min3A_77, %max3A_118 : vector<16xf32>
      %max3A_120 = arith.maximumf %min3A_77, %max3A_118 : vector<16xf32>
      %min3A_121 = arith.minimumf %min3A_79, %max3A_120 : vector<16xf32>
      %max3A_122 = arith.maximumf %min3A_79, %max3A_120 : vector<16xf32>
      %min3A_123 = arith.minimumf %min3A_81, %max3A_122 : vector<16xf32>
      %max3A_124 = arith.maximumf %min3A_81, %max3A_122 : vector<16xf32>
      %mul3A_125 = arith.constant 4 : i32
      %mul3A_126 = arith.muli %mul3A_125, %scan3A_54 : i32
      %add3A_127 = arith.constant 1 : i32
      %add3A_128 = arith.addi %mul3A_126, %add3A_127 : i32
      %mul3A_129 = arith.constant 32 : i32
      %mul3A_130 = arith.muli %add3A_128, %mul3A_129 : i32
      %add3A_131 = arith.constant 16 : i32
      %add3A_132 = arith.addi %mul3A_130, %add3A_131 : i32
      %get3A_133 = arith.index_cast %add3A_132 : i32 to index
      %get3A_134 = tpu.vector_load %arg4[%get3A_133] {strides = array<i32>} : memref<16384xf32, #tpu.memory_space<vmem>>, vector<16xf32>,
      %get3A_135 = vector.shape_cast %get3A_134 : vector<16xf32> to vector<16xf32>
      %min3A_136 = arith.minimumf %min3A_94, %get3A_135 : vector<16xf32>
      %max3A_137 = arith.maximumf %min3A_94, %get3A_135 : vector<16xf32>
      %min3A_138 = arith.minimumf %min3A_96, %max3A_137 : vector<16xf32>
      %max3A_139 = arith.maximumf %min3A_96, %max3A_137 : vector<16xf32>
      %min3A_140 = arith.minimumf %min3A_98, %max3A_139 : vector<16xf32>
      %max3A_141 = arith.maximumf %min3A_98, %max3A_139 : vector<16xf32>
      %min3A_142 = arith.minimumf %min3A_100, %max3A_141 : vector<16xf32>
      %max3A_143 = arith.maximumf %min3A_100, %max3A_141 : vector<16xf32>
      %min3A_144 = arith.minimumf %min3A_102, %max3A_143 : vector<16xf32>
      %max3A_145 = arith.maximumf %min3A_102, %max3A_143 : vector<16xf32>
      %mul3A_146 = arith.constant 4 : i32
      %mul3A_147 = arith.muli %mul3A_146, %scan3A_54 : i32
      %add3A_148 = arith.constant 2 : i32
      %add3A_149 = arith.addi %mul3A_147, %add3A_148 : i32
      %mul3A_150 = arith.constant 32 : i32
      %mul3A_151 = arith.muli %add3A_149, %mul3A_150 : i32
      %add3A_152 = arith.constant 0 : i32
      %add3A_153 = arith.addi %mul3A_151, %add3A_152 : i32
      %get3A_154 = arith.index_cast %add3A_153 : i32 to index
      %get3A_155 = tpu.vector_load %arg4[%get3A_154] {strides = array<i32>} : memref<16384xf32, #tpu.memory_space<vmem>>, vector<16xf32>,
      %get3A_156 = vector.shape_cast %get3A_155 : vector<16xf32> to vector<16xf32>
      %min3A_157 = arith.minimumf %min3A_115, %get3A_156 : vector<16xf32>
      %max3A_158 = arith.maximumf %min3A_115, %get3A_156 : vector<16xf32>
      %min3A_159 = arith.minimumf %min3A_117, %max3A_158 : vector<16xf32>
      %max3A_160 = arith.maximumf %min3A_117, %max3A_158 : vector<16xf32>
      %min3A_161 = arith.minimumf %min3A_119, %max3A_160 : vector<16xf32>
      %max3A_162 = arith.maximumf %min3A_119, %max3A_160 : vector<16xf32>
      %min3A_163 = arith.minimumf %min3A_121, %max3A_162 : vector<16xf32>
      %max3A_164 = arith.maximumf %min3A_121, %max3A_162 : vector<16xf32>
      %min3A_165 = arith.minimumf %min3A_123, %max3A_164 : vector<16xf32>
      %max3A_166 = arith.maximumf %min3A_123, %max3A_164 : vector<16xf32>
      %mul3A_167 = arith.constant 4 : i32
      %mul3A_168 = arith.muli %mul3A_167, %scan3A_54 : i32
      %add3A_169 = arith.constant 2 : i32
      %add3A_170 = arith.addi %mul3A_168, %add3A_169 : i32
      %mul3A_171 = arith.constant 32 : i32
      %mul3A_172 = arith.muli %add3A_170, %mul3A_171 : i32
      %add3A_173 = arith.constant 16 : i32
      %add3A_174 = arith.addi %mul3A_172, %add3A_173 : i32
      %get3A_175 = arith.index_cast %add3A_174 : i32 to index
      %get3A_176 = tpu.vector_load %arg4[%get3A_175] {strides = array<i32>} : memref<16384xf32, #tpu.memory_space<vmem>>, vector<16xf32>,
      %get3A_177 = vector.shape_cast %get3A_176 : vector<16xf32> to vector<16xf32>
      %min3A_178 = arith.minimumf %min3A_136, %get3A_177 : vector<16xf32>
      %max3A_179 = arith.maximumf %min3A_136, %get3A_177 : vector<16xf32>
      %min3A_180 = arith.minimumf %min3A_138, %max3A_179 : vector<16xf32>
      %max3A_181 = arith.maximumf %min3A_138, %max3A_179 : vector<16xf32>
      %min3A_182 = arith.minimumf %min3A_140, %max3A_181 : vector<16xf32>
      %max3A_183 = arith.maximumf %min3A_140, %max3A_181 : vector<16xf32>
      %min3A_184 = arith.minimumf %min3A_142, %max3A_183 : vector<16xf32>
      %max3A_185 = arith.maximumf %min3A_142, %max3A_183 : vector<16xf32>
      %min3A_186 = arith.minimumf %min3A_144, %max3A_185 : vector<16xf32>
      %max3A_187 = arith.maximumf %min3A_144, %max3A_185 : vector<16xf32>
      %mul3A_188 = arith.constant 4 : i32
      %mul3A_189 = arith.muli %mul3A_188, %scan3A_54 : i32
      %add3A_190 = arith.constant 3 : i32
      %add3A_191 = arith.addi %mul3A_189, %add3A_190 : i32
      %mul3A_192 = arith.constant 32 : i32
      %mul3A_193 = arith.muli %add3A_191, %mul3A_192 : i32
      %add3A_194 = arith.constant 0 : i32
      %add3A_195 = arith.addi %mul3A_193, %add3A_194 : i32
      %get3A_196 = arith.index_cast %add3A_195 : i32 to index
      %get3A_197 = tpu.vector_load %arg4[%get3A_196] {strides = array<i32>} : memref<16384xf32, #tpu.memory_space<vmem>>, vector<16xf32>,
      %get3A_198 = vector.shape_cast %get3A_197 : vector<16xf32> to vector<16xf32>
      %min3A_199 = arith.minimumf %min3A_157, %get3A_198 : vector<16xf32>
      %max3A_200 = arith.maximumf %min3A_157, %get3A_198 : vector<16xf32>
      %min3A_201 = arith.minimumf %min3A_159, %max3A_200 : vector<16xf32>
      %max3A_202 = arith.maximumf %min3A_159, %max3A_200 : vector<16xf32>
      %min3A_203 = arith.minimumf %min3A_161, %max3A_202 : vector<16xf32>
      %max3A_204 = arith.maximumf %min3A_161, %max3A_202 : vector<16xf32>
      %min3A_205 = arith.minimumf %min3A_163, %max3A_204 : vector<16xf32>
      %max3A_206 = arith.maximumf %min3A_163, %max3A_204 : vector<16xf32>
      %min3A_207 = arith.minimumf %min3A_165, %max3A_206 : vector<16xf32>
      %max3A_208 = arith.maximumf %min3A_165, %max3A_206 : vector<16xf32>
      %mul3A_209 = arith.constant 4 : i32
      %mul3A_210 = arith.muli %mul3A_209, %scan3A_54 : i32
      %add3A_211 = arith.constant 3 : i32
      %add3A_212 = arith.addi %mul3A_210, %add3A_211 : i32
      %mul3A_213 = arith.constant 32 : i32
      %mul3A_214 = arith.muli %add3A_212, %mul3A_213 : i32
      %add3A_215 = arith.constant 16 : i32
      %add3A_216 = arith.addi %mul3A_214, %add3A_215 : i32
      %get3A_217 = arith.index_cast %add3A_216 : i32 to index
      %get3A_218 = tpu.vector_load %arg4[%get3A_217] {strides = array<i32>} : memref<16384xf32, #tpu.memory_space<vmem>>, vector<16xf32>,
      %get3A_219 = vector.shape_cast %get3A_218 : vector<16xf32> to vector<16xf32>
      %min3A_220 = arith.minimumf %min3A_178, %get3A_219 : vector<16xf32>
      %max3A_221 = arith.maximumf %min3A_178, %get3A_219 : vector<16xf32>
      %min3A_222 = arith.minimumf %min3A_180, %max3A_221 : vector<16xf32>
      %max3A_223 = arith.maximumf %min3A_180, %max3A_221 : vector<16xf32>
      %min3A_224 = arith.minimumf %min3A_182, %max3A_223 : vector<16xf32>
      %max3A_225 = arith.maximumf %min3A_182, %max3A_223 : vector<16xf32>
      %min3A_226 = arith.minimumf %min3A_184, %max3A_225 : vector<16xf32>
      %max3A_227 = arith.maximumf %min3A_184, %max3A_225 : vector<16xf32>
      %min3A_228 = arith.minimumf %min3A_186, %max3A_227 : vector<16xf32>
      %max3A_229 = arith.maximumf %min3A_186, %max3A_227 : vector<16xf32>
      scf.yield %min3A_199, %min3A_201, %min3A_203, %min3A_205, %min3A_207, %min3A_220, %min3A_222, %min3A_224, %min3A_226, %min3A_228 : vector<16xf32>, vector<16xf32>, vector<16xf32>, vector<16xf32>, vector<16xf32>, vector<16xf32>, vector<16xf32>, vector<16xf32>, vector<16xf32>, vector<16xf32>
    }
    %scan3A_12 = arith.constant 128 : i32
    %swap3A = arith.constant 0 : index
    %swap3A_13 = tpu.vector_load %arg5[%swap3A] {strides = array<i32>} : memref<160xf32, #tpu.memory_space<vmem>>, vector<16xf32>,
    %swap3A_14 = vector.shape_cast %swap3A_13 : vector<16xf32> to vector<16xf32>
    %swap3A_15 = vector.shape_cast %scan3A_11#0 : vector<16xf32> to vector<16xf32>
    tpu.vector_store %arg5[%swap3A], %swap3A_15 {strides = array<i32>} : memref<160xf32, #tpu.memory_space<vmem>>, vector<16xf32>,
    %swap3A_16 = arith.constant 32 : index
    %swap3A_17 = tpu.vector_load %arg5[%swap3A_16] {strides = array<i32>} : memref<160xf32, #tpu.memory_space<vmem>>, vector<16xf32>,
    %swap3A_18 = vector.shape_cast %swap3A_17 : vector<16xf32> to vector<16xf32>
    %swap3A_19 = vector.shape_cast %scan3A_11#1 : vector<16xf32> to vector<16xf32>
    tpu.vector_store %arg5[%swap3A_16], %swap3A_19 {strides = array<i32>} : memref<160xf32, #tpu.memory_space<vmem>>, vector<16xf32>,
    %swap3A_20 = arith.constant 64 : index
    %swap3A_21 = tpu.vector_load %arg5[%swap3A_20] {strides = array<i32>} : memref<160xf32, #tpu.memory_space<vmem>>, vector<16xf32>,
    %swap3A_22 = vector.shape_cast %swap3A_21 : vector<16xf32> to vector<16xf32>
    %swap3A_23 = vector.shape_cast %scan3A_11#2 : vector<16xf32> to vector<16xf32>
    tpu.vector_store %arg5[%swap3A_20], %swap3A_23 {strides = array<i32>} : memref<160xf32, #tpu.memory_space<vmem>>, vector<16xf32>,
    %swap3A_24 = arith.constant 96 : index
    %swap3A_25 = tpu.vector_load %arg5[%swap3A_24] {strides = array<i32>} : memref<160xf32, #tpu.memory_space<vmem>>, vector<16xf32>,
    %swap3A_26 = vector.shape_cast %swap3A_25 : vector<16xf32> to vector<16xf32>
    %swap3A_27 = vector.shape_cast %scan3A_11#3 : vector<16xf32> to vector<16xf32>
    tpu.vector_store %arg5[%swap3A_24], %swap3A_27 {strides = array<i32>} : memref<160xf32, #tpu.memory_space<vmem>>, vector<16xf32>,
    %swap3A_28 = arith.constant 128 : index
    %swap3A_29 = tpu.vector_load %arg5[%swap3A_28] {strides = array<i32>} : memref<160xf32, #tpu.memory_space<vmem>>, vector<16xf32>,
    %swap3A_30 = vector.shape_cast %swap3A_29 : vector<16xf32> to vector<16xf32>
    %swap3A_31 = vector.shape_cast %scan3A_11#4 : vector<16xf32> to vector<16xf32>
    tpu.vector_store %arg5[%swap3A_28], %swap3A_31 {strides = array<i32>} : memref<160xf32, #tpu.memory_space<vmem>>, vector<16xf32>,
    %swap3A_32 = arith.constant 16 : index
    %swap3A_33 = tpu.vector_load %arg5[%swap3A_32] {strides = array<i32>} : memref<160xf32, #tpu.memory_space<vmem>>, vector<16xf32>,
    %swap3A_34 = vector.shape_cast %swap3A_33 : vector<16xf32> to vector<16xf32>
    %swap3A_35 = vector.shape_cast %scan3A_11#5 : vector<16xf32> to vector<16xf32>
    tpu.vector_store %arg5[%swap3A_32], %swap3A_35 {strides = array<i32>} : memref<160xf32, #tpu.memory_space<vmem>>, vector<16xf32>,
    %swap3A_36 = arith.constant 48 : index
    %swap3A_37 = tpu.vector_load %arg5[%swap3A_36] {strides = array<i32>} : memref<160xf32, #tpu.memory_space<vmem>>, vector<16xf32>,
    %swap3A_38 = vector.shape_cast %swap3A_37 : vector<16xf32> to vector<16xf32>
    %swap3A_39 = vector.shape_cast %scan3A_11#6 : vector<16xf32> to vector<16xf32>
    tpu.vector_store %arg5[%swap3A_36], %swap3A_39 {strides = array<i32>} : memref<160xf32, #tpu.memory_space<vmem>>, vector<16xf32>,
    %swap3A_40 = arith.constant 80 : index
    %swap3A_41 = tpu.vector_load %arg5[%swap3A_40] {strides = array<i32>} : memref<160xf32, #tpu.memory_space<vmem>>, vector<16xf32>,
    %swap3A_42 = vector.shape_cast %swap3A_41 : vector<16xf32> to vector<16xf32>
    %swap3A_43 = vector.shape_cast %scan3A_11#7 : vector<16xf32> to vector<16xf32>
    tpu.vector_store %arg5[%swap3A_40], %swap3A_43 {strides = array<i32>} : memref<160xf32, #tpu.memory_space<vmem>>, vector<16xf32>,
    %swap3A_44 = arith.constant 112 : index
    %swap3A_45 = tpu.vector_load %arg5[%swap3A_44] {strides = array<i32>} : memref<160xf32, #tpu.memory_space<vmem>>, vector<16xf32>,
    %swap3A_46 = vector.shape_cast %swap3A_45 : vector<16xf32> to vector<16xf32>
    %swap3A_47 = vector.shape_cast %scan3A_11#8 : vector<16xf32> to vector<16xf32>
    tpu.vector_store %arg5[%swap3A_44], %swap3A_47 {strides = array<i32>} : memref<160xf32, #tpu.memory_space<vmem>>, vector<16xf32>,
    %swap3A_48 = arith.constant 144 : index
    %swap3A_49 = tpu.vector_load %arg5[%swap3A_48] {strides = array<i32>} : memref<160xf32, #tpu.memory_space<vmem>>, vector<16xf32>,
    %swap3A_50 = vector.shape_cast %swap3A_49 : vector<16xf32> to vector<16xf32>
    %swap3A_51 = vector.shape_cast %scan3A_11#9 : vector<16xf32> to vector<16xf32>
    tpu.vector_store %arg5[%swap3A_48], %swap3A_51 {strides = array<i32>} : memref<160xf32, #tpu.memory_space<vmem>>, vector<16xf32>,
    %mul3A_52 = arith.constant 5 : i32
    %mul3A_53 = arith.muli %mul3A_2, %mul3A_52 : i32
    "tpu.region"() ({
      %run_scoped3A = tpu.sem_alloc : memref<!tpu.dma_semaphore, #tpu.memory_space<semaphore_mem>>
      %dma_start3A = tpu.memref_slice %arg3[%mul3A_53] : memref<5120xf32, #tpu.memory_space<hbm>> -> memref<160xf32, #tpu.memory_space<hbm>>
      %dma_start3A_54 = tpu.memref_slice %arg3[%mul3A_53] : memref<5120xf32, #tpu.memory_space<hbm>> -> memref<160xf32, #tpu.memory_space<hbm>>
      tpu.enqueue_dma source(%arg5 : memref<160xf32, #tpu.memory_space<vmem>>) target(%dma_start3A_54 : memref<160xf32, #tpu.memory_space<hbm>>) target_semaphore(%run_scoped3A : memref<!tpu.dma_semaphore, #tpu.memory_space<semaphore_mem>>)
      %dma_wait3A = tpu.memref_slice %arg3[%mul3A_53] : memref<5120xf32, #tpu.memory_space<hbm>> -> memref<160xf32, #tpu.memory_space<hbm>>
      %dma_wait3A_55 = tpu.memref_slice %arg3[%mul3A_53] : memref<5120xf32, #tpu.memory_space<hbm>> -> memref<160xf32, #tpu.memory_space<hbm>>
      tpu.wait_dma2 semaphore(%run_scoped3A : memref<!tpu.dma_semaphore, #tpu.memory_space<semaphore_mem>>) src(%arg5 : memref<160xf32, #tpu.memory_space<vmem>>) dst(%dma_wait3A_55 : memref<160xf32, #tpu.memory_space<hbm>>)
      tpu.yield
    }) : () -> ()
    return
  }
}

module attributes {stable_mosaic.version = 14 : i64} {
  func.func @_knn_body(%arg0: i32, %arg1: memref<1024x16xf32, #tpu.memory_space<vmem>>, %arg2: memref<4096x16xf32, #tpu.memory_space<vmem>>, %arg3: memref<1x4096xi32, #tpu.memory_space<vmem>>, %arg4: memref<1x4096xi32, #tpu.memory_space<vmem>>, %arg5: memref<1x4096xf32, #tpu.memory_space<vmem>>, %arg6: memref<1024x512xf32, #tpu.memory_space<vmem>>, %arg7: memref<1024x128xf32, #tpu.memory_space<vmem>>, %arg8: memref<1024x128xf32, #tpu.memory_space<vmem>>, %arg9: memref<1024x128xf32, #tpu.memory_space<vmem>>, %arg10: memref<1024x128xf32, #tpu.memory_space<vmem>>) attributes {dimension_semantics = [#tpu.dimension_semantics<arbitrary>], iteration_bounds = array<i64: 25>, scalar_prefetch = 0 : i64, scratch_operands = 4 : i64, tpu.core_type = #tpu.core_type<tc>, window_params = [{pipeline_mode = #tpu.pipeline_mode<synchronous>, transform_indices = @transform_0, window_bounds = array<i64: 1024, 16>}, {transform_indices = @transform_1, window_bounds = array<i64: 4096, 16>}, {transform_indices = @transform_2, window_bounds = array<i64: 1, 4096>}, {transform_indices = @transform_3, window_bounds = array<i64: 1, 4096>}, {transform_indices = @transform_4, window_bounds = array<i64: 1, 4096>}, {pipeline_mode = #tpu.pipeline_mode<synchronous>, transform_indices = @transform_5, window_bounds = array<i64: 1024, 512>}]} {
    %eq3A = arith.constant 0 : i32
    %eq3A_0 = arith.cmpi eq, %arg0, %eq3A : i32
    %convert_element_type3A = arith.extui %eq3A_0 : i1 to i32
    %cond3A = arith.constant 0 : i32
    %cond3A_1 = arith.cmpi ne, %convert_element_type3A, %cond3A : i32
    scf.if %cond3A_1 {
      %broadcast_in_dim3A_100 = arith.constant 0x7F800000 : f32
      %broadcast_in_dim3A_101 = vector.broadcast %broadcast_in_dim3A_100 : f32 to vector<1024x128xf32>
      %swap3A_102 = arith.constant 0 : index
      %swap3A_103 = arith.constant 0 : index
      %swap3A_104 = vector.load %arg7[%swap3A_102, %swap3A_103] : memref<1024x128xf32, #tpu.memory_space<vmem>>, vector<1024x128xf32>
      tpu.vector_store %arg7[%swap3A_102, %swap3A_103], %broadcast_in_dim3A_101 {strides = array<i32>} : memref<1024x128xf32, #tpu.memory_space<vmem>>, vector<1024x128xf32>,
      %swap3A_105 = arith.constant 0 : index
      %swap3A_106 = arith.constant 0 : index
      %swap3A_107 = vector.load %arg8[%swap3A_105, %swap3A_106] : memref<1024x128xf32, #tpu.memory_space<vmem>>, vector<1024x128xf32>
      tpu.vector_store %arg8[%swap3A_105, %swap3A_106], %broadcast_in_dim3A_101 {strides = array<i32>} : memref<1024x128xf32, #tpu.memory_space<vmem>>, vector<1024x128xf32>,
      %swap3A_108 = arith.constant 0 : index
      %swap3A_109 = arith.constant 0 : index
      %swap3A_110 = vector.load %arg9[%swap3A_108, %swap3A_109] : memref<1024x128xf32, #tpu.memory_space<vmem>>, vector<1024x128xf32>
      tpu.vector_store %arg9[%swap3A_108, %swap3A_109], %broadcast_in_dim3A_101 {strides = array<i32>} : memref<1024x128xf32, #tpu.memory_space<vmem>>, vector<1024x128xf32>,
      %swap3A_111 = arith.constant 0 : index
      %swap3A_112 = arith.constant 0 : index
      %swap3A_113 = vector.load %arg10[%swap3A_111, %swap3A_112] : memref<1024x128xf32, #tpu.memory_space<vmem>>, vector<1024x128xf32>
      tpu.vector_store %arg10[%swap3A_111, %swap3A_112], %broadcast_in_dim3A_101 {strides = array<i32>} : memref<1024x128xf32, #tpu.memory_space<vmem>>, vector<1024x128xf32>,
    } else {
    }
    %get3A = arith.constant 0 : index
    %get3A_2 = arith.constant 0 : index
    %get3A_3 = vector.load %arg1[%get3A, %get3A_2] : memref<1024x16xf32, #tpu.memory_space<vmem>>, vector<1024x16xf32>
    %get3A_4 = arith.constant 0 : index
    %get3A_5 = arith.constant 0 : index
    %get3A_6 = vector.load %arg2[%get3A_4, %get3A_5] : memref<4096x16xf32, #tpu.memory_space<vmem>>, vector<4096x16xf32>
    %get3A_7 = arith.constant 0 : index
    %get3A_8 = arith.constant 0 : index
    %get3A_9 = vector.load %arg3[%get3A_7, %get3A_8] : memref<1x4096xi32, #tpu.memory_space<vmem>>, vector<1x4096xi32>
    %get3A_10 = arith.constant 0 : index
    %get3A_11 = arith.constant 0 : index
    %get3A_12 = vector.load %arg4[%get3A_10, %get3A_11] : memref<1x4096xi32, #tpu.memory_space<vmem>>, vector<1x4096xi32>
    %get3A_13 = arith.constant 0 : index
    %get3A_14 = arith.constant 0 : index
    %get3A_15 = vector.load %arg5[%get3A_13, %get3A_14] : memref<1x4096xf32, #tpu.memory_space<vmem>>, vector<1x4096xf32>
    %dot_general3A = arith.constant dense<0.000000e+00> : vector<1024x4096xf32>
    %dot_general3A_16 = tpu.matmul %get3A_3, %get3A_6, %dot_general3A {dimension_numbers = #tpu.dot_dimension_numbers<[1], [1], [0], [0], [0, 0, 1, 0], [], []>, transpose_lhs_hint = false} : vector<1024x16xf32>, vector<4096x16xf32>, vector<1024x4096xf32> -> vector<1024x4096xf32>
    %mul3A = arith.mulf %get3A_3, %get3A_3 : vector<1024x16xf32>
    %reduce_sum3A = arith.constant dense<0.000000e+00> : vector<1024xf32>
    %reduce_sum3A_17 = vector.multi_reduction <add>, %mul3A, %reduce_sum3A [1] : vector<1024x16xf32> to vector<1024xf32>
    %broadcast_in_dim3A = vector.shape_cast %reduce_sum3A_17 : vector<1024xf32> to vector<1024x1xf32>
    %mul3A_18 = arith.constant 2.500000e-01 : f32
    %mul3A_19 = vector.broadcast %mul3A_18 : f32 to vector<1024x1xf32>
    %mul3A_20 = arith.mulf %mul3A_19, %broadcast_in_dim3A : vector<1024x1xf32>
    %add3A = vector.broadcast %mul3A_20 : vector<1024x1xf32> to vector<1024x4096xf32>
    %add3A_21 = arith.addf %dot_general3A_16, %add3A : vector<1024x4096xf32>
    %add3A_22 = vector.broadcast %get3A_15 : vector<1x4096xf32> to vector<1024x4096xf32>
    %add3A_23 = arith.addf %add3A_21, %add3A_22 : vector<1024x4096xf32>
    %bitcast_convert_type3A = tpu.bitcast %add3A_23 : vector<1024x4096xf32> -> vector<1024x4096xi32>
    %and3A = vector.broadcast %get3A_9 : vector<1x4096xi32> to vector<1024x4096xi32>
    %and3A_24 = arith.andi %bitcast_convert_type3A, %and3A : vector<1024x4096xi32>
    %or3A = vector.broadcast %get3A_12 : vector<1x4096xi32> to vector<1024x4096xi32>
    %or3A_25 = arith.ori %and3A_24, %or3A : vector<1024x4096xi32>
    %bitcast_convert_type3A_26 = tpu.bitcast %or3A_25 : vector<1024x4096xi32> -> vector<1024x4096xf32>
    %slice3A = vector.extract_strided_slice %bitcast_convert_type3A_26 {offsets = [0, 0], sizes = [1024, 2048], strides = [1, 1]} : vector<1024x4096xf32> to vector<1024x2048xf32>
    %slice3A_27 = vector.extract_strided_slice %bitcast_convert_type3A_26 {offsets = [0, 2048], sizes = [1024, 2048], strides = [1, 1]} : vector<1024x4096xf32> to vector<1024x2048xf32>
    %min3A = arith.minimumf %slice3A, %slice3A_27 : vector<1024x2048xf32>
    %max3A = arith.maximumf %slice3A, %slice3A_27 : vector<1024x2048xf32>
    %slice3A_28 = vector.extract_strided_slice %min3A {offsets = [0, 0], sizes = [1024, 1024], strides = [1, 1]} : vector<1024x2048xf32> to vector<1024x1024xf32>
    %slice3A_29 = vector.extract_strided_slice %min3A {offsets = [0, 1024], sizes = [1024, 1024], strides = [1, 1]} : vector<1024x2048xf32> to vector<1024x1024xf32>
    %slice3A_30 = vector.extract_strided_slice %max3A {offsets = [0, 0], sizes = [1024, 1024], strides = [1, 1]} : vector<1024x2048xf32> to vector<1024x1024xf32>
    %slice3A_31 = vector.extract_strided_slice %max3A {offsets = [0, 1024], sizes = [1024, 1024], strides = [1, 1]} : vector<1024x2048xf32> to vector<1024x1024xf32>
    %max3A_32 = arith.maximumf %slice3A_28, %slice3A_29 : vector<1024x1024xf32>
    %min3A_33 = arith.minimumf %slice3A_30, %slice3A_31 : vector<1024x1024xf32>
    %min3A_34 = arith.minimumf %max3A_32, %min3A_33 : vector<1024x1024xf32>
    %min3A_35 = arith.minimumf %slice3A_28, %slice3A_29 : vector<1024x1024xf32>
    %slice3A_36 = vector.extract_strided_slice %min3A_35 {offsets = [0, 0], sizes = [1024, 512], strides = [1, 1]} : vector<1024x1024xf32> to vector<1024x512xf32>
    %slice3A_37 = vector.extract_strided_slice %min3A_35 {offsets = [0, 512], sizes = [1024, 512], strides = [1, 1]} : vector<1024x1024xf32> to vector<1024x512xf32>
    %slice3A_38 = vector.extract_strided_slice %min3A_34 {offsets = [0, 0], sizes = [1024, 512], strides = [1, 1]} : vector<1024x1024xf32> to vector<1024x512xf32>
    %slice3A_39 = vector.extract_strided_slice %min3A_34 {offsets = [0, 512], sizes = [1024, 512], strides = [1, 1]} : vector<1024x1024xf32> to vector<1024x512xf32>
    %max3A_40 = arith.maximumf %slice3A_36, %slice3A_37 : vector<1024x512xf32>
    %min3A_41 = arith.minimumf %slice3A_38, %slice3A_39 : vector<1024x512xf32>
    %min3A_42 = arith.minimumf %max3A_40, %min3A_41 : vector<1024x512xf32>
    %min3A_43 = arith.minimumf %slice3A_36, %slice3A_37 : vector<1024x512xf32>
    %slice3A_44 = vector.extract_strided_slice %min3A_43 {offsets = [0, 0], sizes = [1024, 256], strides = [1, 1]} : vector<1024x512xf32> to vector<1024x256xf32>
    %slice3A_45 = vector.extract_strided_slice %min3A_43 {offsets = [0, 256], sizes = [1024, 256], strides = [1, 1]} : vector<1024x512xf32> to vector<1024x256xf32>
    %slice3A_46 = vector.extract_strided_slice %min3A_42 {offsets = [0, 0], sizes = [1024, 256], strides = [1, 1]} : vector<1024x512xf32> to vector<1024x256xf32>
    %slice3A_47 = vector.extract_strided_slice %min3A_42 {offsets = [0, 256], sizes = [1024, 256], strides = [1, 1]} : vector<1024x512xf32> to vector<1024x256xf32>
    %max3A_48 = arith.maximumf %slice3A_44, %slice3A_45 : vector<1024x256xf32>
    %min3A_49 = arith.minimumf %slice3A_46, %slice3A_47 : vector<1024x256xf32>
    %min3A_50 = arith.minimumf %max3A_48, %min3A_49 : vector<1024x256xf32>
    %min3A_51 = arith.minimumf %slice3A_44, %slice3A_45 : vector<1024x256xf32>
    %slice3A_52 = vector.extract_strided_slice %min3A_51 {offsets = [0, 0], sizes = [1024, 128], strides = [1, 1]} : vector<1024x256xf32> to vector<1024x128xf32>
    %slice3A_53 = vector.extract_strided_slice %min3A_51 {offsets = [0, 128], sizes = [1024, 128], strides = [1, 1]} : vector<1024x256xf32> to vector<1024x128xf32>
    %slice3A_54 = vector.extract_strided_slice %min3A_50 {offsets = [0, 0], sizes = [1024, 128], strides = [1, 1]} : vector<1024x256xf32> to vector<1024x128xf32>
    %slice3A_55 = vector.extract_strided_slice %min3A_50 {offsets = [0, 128], sizes = [1024, 128], strides = [1, 1]} : vector<1024x256xf32> to vector<1024x128xf32>
    %max3A_56 = arith.maximumf %slice3A_52, %slice3A_53 : vector<1024x128xf32>
    %min3A_57 = arith.minimumf %slice3A_54, %slice3A_55 : vector<1024x128xf32>
    %min3A_58 = arith.minimumf %max3A_56, %min3A_57 : vector<1024x128xf32>
    %min3A_59 = arith.minimumf %slice3A_52, %slice3A_53 : vector<1024x128xf32>
    %get3A_60 = arith.constant 0 : index
    %get3A_61 = arith.constant 0 : index
    %get3A_62 = vector.load %arg7[%get3A_60, %get3A_61] : memref<1024x128xf32, #tpu.memory_space<vmem>>, vector<1024x128xf32>
    %get3A_63 = arith.constant 0 : index
    %get3A_64 = arith.constant 0 : index
    %get3A_65 = vector.load %arg8[%get3A_63, %get3A_64] : memref<1024x128xf32, #tpu.memory_space<vmem>>, vector<1024x128xf32>
    %get3A_66 = arith.constant 0 : index
    %get3A_67 = arith.constant 0 : index
    %get3A_68 = vector.load %arg9[%get3A_66, %get3A_67] : memref<1024x128xf32, #tpu.memory_space<vmem>>, vector<1024x128xf32>
    %get3A_69 = arith.constant 0 : index
    %get3A_70 = arith.constant 0 : index
    %get3A_71 = vector.load %arg10[%get3A_69, %get3A_70] : memref<1024x128xf32, #tpu.memory_space<vmem>>, vector<1024x128xf32>
    %min3A_72 = arith.minimumf %get3A_62, %min3A_59 : vector<1024x128xf32>
    %max3A_73 = arith.maximumf %get3A_62, %min3A_59 : vector<1024x128xf32>
    %min3A_74 = arith.minimumf %get3A_65, %max3A_73 : vector<1024x128xf32>
    %min3A_75 = arith.minimumf %min3A_74, %min3A_58 : vector<1024x128xf32>
    %max3A_76 = arith.maximumf %get3A_65, %min3A_59 : vector<1024x128xf32>
    %max3A_77 = arith.maximumf %get3A_62, %min3A_58 : vector<1024x128xf32>
    %min3A_78 = arith.minimumf %max3A_76, %max3A_77 : vector<1024x128xf32>
    %min3A_79 = arith.minimumf %get3A_68, %min3A_78 : vector<1024x128xf32>
    %max3A_80 = arith.maximumf %get3A_68, %min3A_59 : vector<1024x128xf32>
    %max3A_81 = arith.maximumf %get3A_65, %min3A_58 : vector<1024x128xf32>
    %min3A_82 = arith.minimumf %max3A_80, %max3A_81 : vector<1024x128xf32>
    %min3A_83 = arith.minimumf %get3A_71, %min3A_82 : vector<1024x128xf32>
    %swap3A = arith.constant 0 : index
    %swap3A_84 = arith.constant 0 : index
    %swap3A_85 = vector.load %arg7[%swap3A, %swap3A_84] : memref<1024x128xf32, #tpu.memory_space<vmem>>, vector<1024x128xf32>
    tpu.vector_store %arg7[%swap3A, %swap3A_84], %min3A_72 {strides = array<i32>} : memref<1024x128xf32, #tpu.memory_space<vmem>>, vector<1024x128xf32>,
    %swap3A_86 = arith.constant 0 : index
    %swap3A_87 = arith.constant 0 : index
    %swap3A_88 = vector.load %arg8[%swap3A_86, %swap3A_87] : memref<1024x128xf32, #tpu.memory_space<vmem>>, vector<1024x128xf32>
    tpu.vector_store %arg8[%swap3A_86, %swap3A_87], %min3A_75 {strides = array<i32>} : memref<1024x128xf32, #tpu.memory_space<vmem>>, vector<1024x128xf32>,
    %swap3A_89 = arith.constant 0 : index
    %swap3A_90 = arith.constant 0 : index
    %swap3A_91 = vector.load %arg9[%swap3A_89, %swap3A_90] : memref<1024x128xf32, #tpu.memory_space<vmem>>, vector<1024x128xf32>
    tpu.vector_store %arg9[%swap3A_89, %swap3A_90], %min3A_79 {strides = array<i32>} : memref<1024x128xf32, #tpu.memory_space<vmem>>, vector<1024x128xf32>,
    %swap3A_92 = arith.constant 0 : index
    %swap3A_93 = arith.constant 0 : index
    %swap3A_94 = vector.load %arg10[%swap3A_92, %swap3A_93] : memref<1024x128xf32, #tpu.memory_space<vmem>>, vector<1024x128xf32>
    tpu.vector_store %arg10[%swap3A_92, %swap3A_93], %min3A_83 {strides = array<i32>} : memref<1024x128xf32, #tpu.memory_space<vmem>>, vector<1024x128xf32>,
    %eq3A_95 = arith.constant 24 : i32
    %eq3A_96 = arith.cmpi eq, %arg0, %eq3A_95 : i32
    %convert_element_type3A_97 = arith.extui %eq3A_96 : i1 to i32
    %cond3A_98 = arith.constant 0 : i32
    %cond3A_99 = arith.cmpi ne, %convert_element_type3A_97, %cond3A_98 : i32
    scf.if %cond3A_99 {
      %concatenate3A = tpu.concatenate %min3A_72, %min3A_75, %min3A_79, %min3A_83 in 1 : vector<1024x128xf32>, vector<1024x128xf32>, vector<1024x128xf32>, vector<1024x128xf32> -> vector<1024x512xf32>
      %swap3A_100 = arith.constant 0 : index
      %swap3A_101 = arith.constant 0 : index
      %swap3A_102 = vector.load %arg6[%swap3A_100, %swap3A_101] : memref<1024x512xf32, #tpu.memory_space<vmem>>, vector<1024x512xf32>
      tpu.vector_store %arg6[%swap3A_100, %swap3A_101], %concatenate3A {strides = array<i32>} : memref<1024x512xf32, #tpu.memory_space<vmem>>, vector<1024x512xf32>,
    } else {
    }
    return
  }
  func.func @transform_0(%arg0: i32) -> (i32, i32) {
    %c0_i32 = arith.constant 0 : i32
    %c0_i32_0 = arith.constant 0 : i32
    %c0_i32_1 = arith.constant 0 : i32
    return %c0_i32, %c0_i32_0 : i32, i32
  }
  func.func @transform_1(%arg0: i32) -> (i32, i32) {
    %c0_i32 = arith.constant 0 : i32
    %c0_i32_0 = arith.constant 0 : i32
    return %arg0, %c0_i32 : i32, i32
  }
  func.func @transform_2(%arg0: i32) -> (i32, i32) {
    %c0_i32 = arith.constant 0 : i32
    %c0_i32_0 = arith.constant 0 : i32
    return %c0_i32, %arg0 : i32, i32
  }
  func.func @transform_3(%arg0: i32) -> (i32, i32) {
    %c0_i32 = arith.constant 0 : i32
    %c0_i32_0 = arith.constant 0 : i32
    return %c0_i32, %arg0 : i32, i32
  }
  func.func @transform_4(%arg0: i32) -> (i32, i32) {
    %c0_i32 = arith.constant 0 : i32
    %c0_i32_0 = arith.constant 0 : i32
    return %c0_i32, %arg0 : i32, i32
  }
  func.func @transform_5(%arg0: i32) -> (i32, i32) {
    %c0_i32 = arith.constant 0 : i32
    %c0_i32_0 = arith.constant 0 : i32
    %c0_i32_1 = arith.constant 0 : i32
    return %c0_i32, %c0_i32_0 : i32, i32
  }
}

</mosaic_0001>

<sc_bundles>
// kernel: kernel.4.cloned.1.call-start
scs
__scs_entry_jumppad:
0x0: {  	(pc) =	sbr.rel $0x88, $3  }
0x1: {  	(tag) =	ssettag $0x0;
	lr =	simm.s32 $0x1  }
0x2: {  	[smem:$0x3F9E] =	sst lr;
	_ =	strace $0xD0000000  }
0x3: {  	_ = 	snop  }
0x4: {  	_ = 	snop  }
0x5: {  	_ = 	snop  }
0x6: {  	_ = 	snop  }
0x7: {  	_ = 	snop  }
__scs_overlays_trampoline_lowered:
0x8: {  	[smem:$0x3FAD] =	sst s0  }
0x9: {  	[smem:$0x3FAE] =	sst s1  }
0xa: {  	[smem:$0x3FAF] =	sst s2  }
0xb: {  	[smem:$0x3FB0] =	sst s3  }
0xc: {  	[smem:$0x3FB1] =	sst s4  }
0xd: {  	[smem:$0x3FB2] =	sst s5  }
0xe: {  	[smem:$0x3FB3] =	sst s6  }
0xf: {  	[smem:$0x3FB4] =	sst s7  }
0x10: {  	[smem:$0x3FB5] =	sst s8  }
0x11: {  	[smem:$0x3FB6] =	sst s9;
	s0 =	simm.s32 @!p0 $0x0  }
0x12: {  	s1 =	sld [smem:$0x3F9C];
	s0 =	simm.s32 @p0 $0x1  }
0x13: {  	[smem:$0x3FB7] =	sst s0;
	s0 =	simm.s32 @!p1 $0x0  }
0x14: {  	s2 =	sld [smem:$0x3F9B];
	s0 =	simm.s32 @p1 $0x1  }
0x15: {  	[smem:$0x3FB8] =	sst s0;
	s0 =	simm.s32 @!p2 $0x0  }
0x16: {  	s3 =	sld [smem:$0x3FDB];
	s0 =	simm.s32 @p2 $0x1  }
0x17: {  	s4 =	simm.s32 $0x1BF5;
	[smem:$0x3FBA] =	sst s0  }
0x18: {  	s0 =	sld [smem:$0x3F9D];
	_ =	swait.ge [sflag:s4], $0x0  }
0x19: {  	s7 =	sld [smem:$0x3F9E]  }
0x1a: {  	s8 =	sadd.s32 $0xFFFFE003, lr  }
0x1b: {  	s9 =	sadd.s32 $0xFFFFFEF7, lr;
	s5 =	simm.s32 $0xFFFFFFFF;
	p2 =	slt.u32 s8, $0xFFFFF086  }
0x1c: {  	p1 =	slt.u32 s9, $0xF7A;
	s5 =	simm.s32 @!p2 $0x0  }
0x1d: {  	s5 =	simm.s32 @p1 $0x1;
	p0 =	seq.s32 s7, s2  }
0x1e: {  	s7 =	smul.u32 @!p0 $0xF7A, s2;
	p2 =	seq.s32 @!p0 s5, $0x0  }
0x1f: {  	s9 =	smul.u32 $0xF7A, s1;
	s8 =	simm.s32 @!p0 $0x1BF5;
	p2 =	por !p2, p0  }
0x20: {  	[sflag:s8] =	ssyncset.s32 @!p0 $0xFFFFF086;
	s6 =	sadd.s32 @!p0 s3, s7;
	s7 =	simm.s32 @!p0 $0x108  }
0x21: {  	s3 =	sadd.s32 s3, s9;
	s6 =	sadd.s32 @!p0 $0x88, s6;
	s7 =	simm.s32 @p2 $0x1082  }
0x22: {  	[simem:s7], [sflag:s8] =	dma.local @!p0 [hbm:s6], $0xF7A  }
0x23: {  	s9 =	sor.u32 $0xD0000000, s2;
	s6 =	simm.s32 $0x108;
	_ =	swait.ge @!p0 [sflag:s8], $0x0  }
0x24: {  	s3 =	sadd.s32 $0x88, s3;
	s6 =	simm.s32 @!p1 $0x1082;
	[sflag:s4] =	ssyncset.s32 $0xFFFFF086  }
0x25: {  	[simem:s6], [sflag:s4] =	dma.local [hbm:s3], $0xF7A  }
0x26: {  	[smem:$0x3F9E] =	sst s1;
	(tag) =	ssettag s2;
	_ =	strace s9  }
0x27: {  	s1 =	sld [smem:$0x3FAE]  }
0x28: {  	s2 =	sld [smem:$0x3FAF]  }
0x29: {  	s4 =	sld [smem:$0x3FB1]  }
0x2a: {  	p0 =	seq.s32 s5, $0x0;
	s5 =	sld [smem:$0x3FB2]  }
0x2b: {  	s6 =	sld [smem:$0x3FB3]  }
0x2c: {  	s7 =	sld [smem:$0x3FB4]  }
0x2d: {  	s3 =	simm.s32 $0x108;
	s8 =	sld [smem:$0x3FB5]  }
0x2e: {  	s3 =	simm.s32 @!p0 $0x1082;
	s9 =	sld [smem:$0x3FB6]  }
0x2f: {  	lr =	sadd.s32 s0, s3;
	s0 =	sld [smem:$0x3FAD]  }
0x30: {  	s3 =	sld [smem:$0x3FB0]  }
0x31: {  	[smem:$0x3FB9] =	sst s10  }
0x32: {  	s10 =	sld [smem:$0x3FB7];
	_ =	sdelay $0x3  }
0x33: {  	p0 =	seq.s32 s10, $0x1;
	s10 =	sld [smem:$0x3FB9];
	_ =	sdelay $0x3  }
0x34: {  	[smem:$0x3FB9] =	sst s10  }
0x35: {  	s10 =	sld [smem:$0x3FB8];
	_ =	sdelay $0x3  }
0x36: {  	p1 =	seq.s32 s10, $0x1;
	s10 =	sld [smem:$0x3FB9];
	_ =	sdelay $0x3  }
0x37: {  	[smem:$0x3FB9] =	sst s10  }
0x38: {  	s10 =	sld [smem:$0x3FBA]  }
0x39: {  	_ = 	snop;
	(pc) =	sbr.ind lr, $3  }
0x3a: {  	_ = 	snop  }
0x3b: {  	_ = 	snop  }
0x3c: {  	p2 =	seq.s32 s10, $0x1;
	s10 =	sld [smem:$0x3FB9]  }
0x3d: {  	_ =	shalt  }
0x3e: {  	_ =	shalt  }
0x3f: {  	_ =	shalt  }
0x40: {  	_ =	shalt  }
0x41: {  	_ =	shalt  }
0x42: {  	_ =	shalt  }
0x43: {  	_ =	shalt  }
0x44: {  	_ =	shalt  }
0x45: {  	_ =	shalt  }
0x46: {  	_ =	shalt  }
0x47: {  	_ =	shalt  }
0x48: {  	_ =	shalt  }
0x49: {  	_ =	shalt  }
0x4a: {  	_ =	shalt  }
0x4b: {  	_ =	shalt  }
0x4c: {  	_ =	shalt  }
0x4d: {  	_ =	shalt  }
0x4e: {  	_ =	shalt  }
0x4f: {  	_ =	shalt  }
0x50: {  	_ =	shalt  }
0x51: {  	_ =	shalt  }
0x52: {  	_ =	shalt  }
0x53: {  	_ =	shalt  }
0x54: {  	_ =	shalt  }
0x55: {  	_ =	shalt  }
0x56: {  	_ =	shalt  }
0x57: {  	_ =	shalt  }
0x58: {  	_ =	shalt  }
0x59: {  	_ =	shalt  }
0x5a: {  	_ =	shalt  }
0x5b: {  	_ =	shalt  }
0x5c: {  	_ =	shalt  }
0x5d: {  	_ =	shalt  }
0x5e: {  	_ =	shalt  }
0x5f: {  	_ =	shalt  }
0x60: {  	_ =	shalt  }
0x61: {  	_ =	shalt  }
0x62: {  	_ =	shalt  }
0x63: {  	_ =	shalt  }
0x64: {  	_ =	shalt  }
0x65: {  	_ =	shalt  }
0x66: {  	_ =	shalt  }
0x67: {  	_ =	shalt  }
0x68: {  	_ =	shalt  }
0x69: {  	_ =	shalt  }
0x6a: {  	_ =	shalt  }
0x6b: {  	_ =	shalt  }
0x6c: {  	_ =	shalt  }
0x6d: {  	_ =	shalt  }
0x6e: {  	_ =	shalt  }
0x6f: {  	_ =	shalt  }
0x70: {  	_ =	shalt  }
0x71: {  	_ =	shalt  }
0x72: {  	_ =	shalt  }
0x73: {  	_ =	shalt  }
0x74: {  	_ =	shalt  }
0x75: {  	_ =	shalt  }
0x76: {  	_ =	shalt  }
0x77: {  	_ =	shalt  }
0x78: {  	_ =	shalt  }
0x79: {  	_ =	shalt  }
0x7a: {  	_ =	shalt  }
0x7b: {  	_ =	shalt  }
0x7c: {  	_ =	shalt  }
0x7d: {  	_ =	shalt  }
0x7e: {  	_ =	shalt  }
0x7f: {  	_ =	shalt  }
0x80: {  	_ =	shalt  }
0x81: {  	_ =	shalt  }
0x82: {  	_ =	shalt  }
0x83: {  	_ =	shalt  }
0x84: {  	_ =	shalt  }
0x85: {  	_ =	shalt  }
0x86: {  	_ =	shalt  }
0x87: {  	_ =	shalt  }
.Lfunc_end0:
.L_simem_size_0:
called_computation_lowered:
.L_overlay_start_0:
0x88: {  	s2 =	sld [smem:$0x3FD9]  }
0x89: {  	s3 =	sld [smem:$0x3FFE];
	_ =	sdelay $0x1  }
0x8a: {  	s1 =	srdreg.scid  }
0x8b: {  	s0 =	sand.u32 $0x1, s1  }
0x8c: {  	s16 =	sshll.u32 s0, $0xA;
	s2 =	sadd.s32 s3, s2  }
0x8d: {  	s2 =	sadd.s32 s2, s16  }
0x8e: {  	[smem:$0x3FC5] =	sst s2  }
0x8f: {  	_ = 	snop  }
0x90: {  	(tm) =	ssettm $0x1  }
0x91: {  	s17 =	sld [smem:$0x3FFB];
	_ =	sdelay $0x3  }
0x92: {  	_ =	strace s17  }
0x93: {  	s2 =	sld [smem:$0x3FFC];
	_ =	sdelay $0x3  }
0x94: {  	_ =	strace s2  }
0x95: {  	s2 =	sld [smem:$0x3FFD];
	_ =	sdelay $0x3  }
0x96: {  	_ =	strace s2  }
0x97: {  	_ =	strace $0x8FFFFFFF  }
0x98: {  	s18 =	sld [smem:$0x3FDB];
	_ =	sdelay $0x1  }
0x99: {  	s19 =	simm.s32 $_scs_section_size  }
0x9a: {  	s4 =	simm.s32 $_size__tile_overlayer_lowered;
	s5 =	simm.s32 $_tile_overlayer_lowered  }
0x9b: {  	s22 =	simm.s32 $0x1BFF;
	s21 =	sshll.u32 s5, $0x1;
	s2 =	sadd.s32 s19, s18  }
0x9c: {  	s6 =	simm.s32 $0x0;
	s20 =	sshll.u32 s4, $0x1;
	s4 =	sadd.s32 s21, s2  }
0x9d: {  	[timem:s6], [sflag:s22] =	dma.local [hbm:s4], s20  }
0x9e: {  	_ =	swait.ge [sflag:s22], s20  }
0x9f: {  	s3 =	ssub.s32 $0x0, s20;
	[sflag:s22] =	ssyncset.done $0x0  }
0xa0: {  	[sflag:s22] =	ssyncadd.s32 s3;
	_ =	sdelay $0x1  }
0xa1: {  	s23 =	simm.s32 $0x1B8B  }
0xa2: {  	_ =	swait.ge [sflag:s23], $0x1  }
0xa3: {  	[sflag:s23] =	ssyncset.done $0x0  }
0xa4: {  	s25 =	simm.s32 $0x1B8E;
	s24 =	sld [smem:$0x3FFE];
	[sflag:s23] =	ssyncadd.s32 $0xFFFFFFFF  }
0xa5: {  	s26 =	simm.s32 $execute0_lowered;
	[smem:$0x3FD2] =	sst s25  }
0xa6: {  	s4 =	sshll.u32 s26, $0x1;
	_ =	strace $0x80000046;
	[dreg:$0x1] =	wrdreg $0xFFFFFFFF  }
0xa7: {  	s28 =	simm.s32 $_size_execute0_lowered;
	s2 =	sadd.s32 s2, s4;
	[dreg:$0x0] =	wrdreg $0x0  }
0xa8: {  	s4 =	sshll.u32 s28, $0x1;
	[dreg:$0x2] =	wrdreg s2  }
0xa9: {  	[dreg:$0x3] =	wrdreg s4  }
0xaa: {  	[dreg:$0x4] =	wrdreg $0xC0  }
0xab: {  	_ =	task [dreg:s6], $0x5FFFF  }
0xac: {  	[dreg:$0x1] =	wrdreg $0xFFFFFFFF  }
0xad: {  	[dreg:$0x0] =	wrdreg $0x60  }
0xae: {  	[dreg:$0x2] =	wrdreg s24  }
0xaf: {  	[dreg:$0x3] =	wrdreg $0x9  }
0xb0: {  	_ =	task.clear_ibuf [dreg:s6], $0x4FFFF;
	_ =	strace $0x90000046  }
0xb1: {  	s29 =	simm.s32 $0x9;
	_ =	strace $0x80000048  }
0xb2: {  	_ =	swait.ge [sflag:s29], $0x1  }
0xb3: {  	[sflag:s29] =	ssyncadd.s32 $0xFFFFFFFF  }
0xb4: {  	_ =	strace $0x90000048  }
0xb5: {  	_ =	sfence  }
0xb6: {  	s30 =	sld [smem:$0x0];
	_ =	sdelay $0x2  }
0xb7: {  	s31 =	sshll.u32 s1, $0xD;
	s1 =	sshrl.u32 s1, $0x2  }
0xb8: {  	s3 =	sand.u32 $0x4000, s31;
	s1 =	sadd.s32 s1, s30  }
0xb9: {  	s0 =	sor.u32 s3, s0;
	s1 =	sshll.u32 s1, $0x11  }
0xba: {  	s0 =	sor.u32 s1, s0  }
0xbb: {  	s0 =	sadd.s32 $0x8F2B, s0  }
0xbc: {  	[sflag:s0] =	ssyncadd.remote.s32 $0x1  }
0xbd: {  	_ =	sfence.sel $0xFFFF  }
0xbe: {  	[dreg:$0x0] =	wrdreg $0xFFFFFFFF;
	(pc) =	sbr.abs _section_cstart, $3  }
0xbf: {  	[dreg:$0x1] =	wrdreg $0xFFFFFFFF  }
0xc0: {  	_ =	task.clear_ibuf [dreg:s6], $0x2FFFF;
	_ =	strace $0x9FFFFFFF  }
0xc1: {  	(tm) =	ssettm $0x7FFFFFFF  }
tec
execute0_lowered:
.L_overlay_start_1:
0x0: {  	(tag) =	ssettag $0x1  }
0x1: {  	s1 =	srdreg.scid  }
0x2: {  	s0 =	stileid.u32;
	s3 =	rddreg [dreg:$0x0];
	s2 =	simm.s32 $0x0  }
0x3: {  	s8 =	simm.s32 $0x0;
	s4 =	sand.u32 $0x1, s1;
	s5 =	sshll.u32 s0, $0x1  }
0x4: {  	s1 =	rddreg [dreg:$0x1];
	s5 =	sor.u32 s4, s5;
	s4 =	ssub.s32 $0x2, s4  }
0x5: {  	[smem:$0x7FF] =	sst s2;
	s6 =	smul.u32 $0x14, s5;
	s7 =	sshrl.u32 s4, $0x1  }
0x6: {  	_ =	strace $0x80000047;
	s31 =	sshll.u32 s5, $0xB;
	s7 =	ssub.s32 s4, s7  }
0x7: {  	s6 =	sadd.s32 s6, s3;
	s3 =	sadd.s32 s3, s31;
	s5 =	smax.u32 s7, $0x1  }
0x8: {  	s7 =	simm.s32 $0x4000;
	s4 =	sadd.s32 $0x10000, s6;
	s6 =	simm.s32 $0x1  }
.LBB2_1:
0x9: {  	[tilespmem:s2], [sflag:$0x1] =	stream.linear.gather [hbm4b:s3+s2], $0x4000, $0x38;
	[tilespmem:$0x4100] =	vst v63  }
0xa: {  	_ =	swait.ge [sflag:s6], $0x4000  }
0xb: {  	[sflag:s6] =	ssyncset.done $0x0  }
0xc: {  	s9 =	simm.s32 $0x0;
	[sflag:s6] =	ssyncadd.s32 $0xFFFFC000  }
0xd: {  	v0 =	vld [tilespmem:s9+$0x0]  }
0xe: {  	v1 =	vld [tilespmem:s9+$0x10]  }
0xf: {  	v2 =	vld [tilespmem:s9+$0x30]  }
0x10: {  	v3 =	vld [tilespmem:s9+$0x20]  }
0x11: {  	v5 =	vimm.f32 $+Inf  }
0x12: {  	v6 =	vld [tilespmem:s9+$0x40];
	v4 =	vmin.f32 v5, v0;
	v0 =	vmax.f32 v5, v0  }
0x13: {  	v8 =	vmin.f32 v5, v1;
	v1 =	vmax.f32 v5, v1;
	v7 =	vmin.f32 v5, v0  }
0x14: {  	v0 =	vmax.f32 v5, v0;
	v13 =	vmax.f32 v8, v2;
	v14 =	vmax.f32 v5, v1  }
0x15: {  	v12 =	vld [tilespmem:s9+$0x50];
	v10 =	vmin.f32 v4, v3;
	v3 =	vmax.f32 v4, v3;
	v15 =	vmin.f32 v5, v1  }
0x16: {  	v17 =	vmin.f32 v8, v2;
	v9 =	vmax.f32 v5, v0;
	v0 =	vmin.f32 v5, v0  }
0x17: {  	v11 =	vmin.f32 v7, v3;
	v3 =	vmax.f32 v7, v3;
	v7 =	vmax.f32 v10, v6  }
0x18: {  	v4 =	vld [tilespmem:s9+$0x70];
	v6 =	vmin.f32 v10, v6;
	v20 =	vmin.f32 v5, v14;
	v16 =	vmax.f32 v5, v9  }
0x19: {  	v18 =	vld [tilespmem:s9+$0x60];
	v9 =	vmin.f32 v5, v9;
	v1 =	vmin.f32 v11, v7;
	v8 =	vmax.f32 v0, v3  }
0x1a: {  	v7 =	vmax.f32 v11, v7;
	v11 =	vmin.f32 v17, v12;
	v19 =	vmin.f32 v0, v3  }
0x1b: {  	v12 =	vmax.f32 v17, v12;
	v3 =	vmin.f32 v19, v7;
	v16 =	vmin.f32 v5, v16  }
0x1c: {  	v21 =	vmax.f32 v9, v8;
	v10 =	vmax.f32 v19, v7;
	v7 =	vmax.f32 v15, v13  }
0x1d: {  	v19 =	vmin.f32 v20, v7;
	v2 =	vmax.f32 v11, v4;
	v0 =	vmin.f32 v11, v4  }
0x1e: {  	v11 =	vmin.f32 v9, v8;
	v8 =	vmin.f32 v15, v13;
	v4 =	vmin.f32 v6, v18  }
0x1f: {  	v9 =	vmin.f32 v16, v21;
	v6 =	vmax.f32 v6, v18;
	v18 =	vmax.f32 v5, v14  }
0x20: {  	v15 =	vmax.f32 v20, v7;
	v13 =	vmax.f32 v8, v12;
	v17 =	vmin.f32 v11, v10  }
0x21: {  	v16 =	vmin.f32 v5, v18;
	v14 =	vmax.f32 v1, v6;
	v18 =	vmax.f32 v5, v18  }
0x22: {  	v7 =	vmin.f32 v19, v13;
	v13 =	vmax.f32 v19, v13;
	v20 =	vmax.f32 v3, v14  }
0x23: {  	s9 =	simm.s32 $0x200;
	v18 =	vmin.f32 v5, v18;
	v19 =	vmax.f32 v16, v15;
	v5 =	vmin.f32 v17, v20  }
.LBB2_2:
0x24: {  	s10 =	sshra.s32 s9, $0x2;
	p0 =	sne.s32 s9, $0xFE00;
	s9 =	sadd.s32 $0x200, s9;
	v10 =	vmax.f32 v11, v10;
	v8 =	vmin.f32 v8, v12;
	v11 =	vmax.f32 v17, v20  }
0x25: {  	v15 =	vmin.f32 v16, v15;
	v16 =	vmin.f32 v18, v19;
	v12 =	vld [tilespmem:s10+$0x0];
	v17 =	vmax.f32 v8, v2  }
0x26: {  	v9 =	vmin.f32 v9, v10;
	v10 =	vmin.f32 v15, v13;
	v18 =	vld [tilespmem:s10+$0x10];
	v19 =	vmax.f32 v7, v17  }
0x27: {  	v13 =	vmax.f32 v15, v13;
	v9 =	vmin.f32 v9, v11;
	v20 =	vld [tilespmem:s10+$0x30];
	v11 =	vmax.f32 v10, v19  }
0x28: {  	v2 =	vmin.f32 v8, v2;
	v13 =	vmin.f32 v16, v13;
	v7 =	vmin.f32 v7, v17;
	v15 =	vld [tilespmem:s10+$0x20]  }
0x29: {  	v1 =	vmin.f32 v1, v6;
	v3 =	vmin.f32 v3, v14;
	v19 =	vmin.f32 v10, v19  }
0x2a: {  	v21 =	vmin.f32 v13, v11;
	v6 =	vmin.f32 v4, v12;
	v4 =	vmax.f32 v4, v12;
	v8 =	vld [tilespmem:s10+$0x40]  }
0x2b: {  	v10 =	vmin.f32 v1, v4;
	v1 =	vmax.f32 v1, v4;
	v4 =	vmin.f32 v0, v18  }
0x2c: {  	v0 =	vmax.f32 v0, v18;
	v11 =	vmax.f32 v3, v1;
	v13 =	vmax.f32 v4, v20;
	v12 =	vld [tilespmem:s10+$0x50]  }
0x2d: {  	v14 =	vmax.f32 v2, v0;
	v16 =	vmin.f32 v6, v15;
	v6 =	vmax.f32 v6, v15;
	v15 =	vld [tilespmem:s10+$0x70]  }
0x2e: {  	v3 =	vmin.f32 v3, v1;
	v17 =	vmin.f32 v2, v0;
	v0 =	vmin.f32 v10, v6  }
0x2f: {  	v18 =	vmax.f32 v5, v11;
	v2 =	vmax.f32 v10, v6;
	v6 =	vmax.f32 v16, v8  }
0x30: {  	v20 =	vmin.f32 v4, v20;
	v5 =	vmin.f32 v5, v11;
	v1 =	vmin.f32 v0, v6;
	v22 =	vld [tilespmem:s10+$0x60]  }
0x31: {  	v4 =	vmax.f32 v3, v2;
	v6 =	vmax.f32 v0, v6;
	v0 =	vmin.f32 v20, v12  }
0x32: {  	v10 =	vmin.f32 v3, v2;
	v16 =	vmin.f32 v16, v8;
	v2 =	vmax.f32 v0, v15  }
0x33: {  	v23 =	vmin.f32 v7, v14;
	v3 =	vmin.f32 v10, v6;
	v0 =	vmin.f32 v0, v15  }
0x34: {  	v9 =	vmin.f32 v9, v18;
	v10 =	vmax.f32 v10, v6;
	v15 =	vmax.f32 v5, v4  }
0x35: {  	v8 =	vmin.f32 v17, v13;
	v11 =	vmin.f32 v5, v4;
	v4 =	vmin.f32 v16, v22  }
0x36: {  	v12 =	vmax.f32 v20, v12;
	v9 =	vmin.f32 v9, v15;
	v6 =	vmax.f32 v16, v22  }
.Ltmp0:
0x37: {  	v5 =	vmax.f32 v7, v14;
	v7 =	vmax.f32 v17, v13;
	v13 =	vmax.f32 v8, v12;
	(pc) =	sbr.rel @p0 .LBB2_2-.Ltmp0, $4  }
0x38: {  	v17 =	vmin.f32 v11, v10;
	v18 =	vmin.f32 v23, v7;
	v15 =	vmax.f32 v23, v7  }
0x39: {  	v7 =	vmin.f32 v18, v13;
	v16 =	vmin.f32 v19, v5;
	v14 =	vmax.f32 v1, v6  }
0x3a: {  	v13 =	vmax.f32 v18, v13;
	v5 =	vmax.f32 v19, v5;
	v20 =	vmax.f32 v3, v14  }
0x3b: {  	v18 =	vmin.f32 v21, v5;
	v19 =	vmax.f32 v16, v15;
	v5 =	vmin.f32 v17, v20  }
0x3c: {  	[tilespmem:$0x4000] =	vst v4  }
0x3d: {  	[tilespmem:$0x4060] =	vst v5  }
0x3e: {  	v1 =	vmin.f32 v1, v6;
	v52 =	vmax.f32 v11, v10;
	v3 =	vmin.f32 v3, v14;
	[tilespmem:$0x4010] =	vst v0  }
0x3f: {  	v53 =	vmax.f32 v17, v20;
	v54 =	vmin.f32 v8, v12;
	v55 =	vmin.f32 v16, v15;
	[tilespmem:$0x4020] =	vst v1  }
0x40: {  	v56 =	vmin.f32 v18, v19;
	v4 =	vmin.f32 v9, v52;
	[tilespmem:$0x4040] =	vst v3;
	v59 =	vmin.f32 v54, v2  }
0x41: {  	v57 =	vmax.f32 v54, v2;
	v58 =	vmin.f32 v55, v13;
	v1 =	vmin.f32 v4, v53;
	[tilespmem:$0x4030] =	vst v59  }
0x42: {  	v61 =	vmax.f32 v55, v13;
	v60 =	vmax.f32 v7, v57;
	[tilespmem:$0x4080] =	vst v1;
	v1 =	vmin.f32 v7, v57  }
0x43: {  	s8 =	sadd.s32 $0x1, s8;
	v3 =	vmin.f32 v56, v61;
	v62 =	vmax.f32 v58, v60;
	v0 =	vmin.f32 v58, v60;
	[tilespmem:$0x4050] =	vst v1  }
0x44: {  	p0 =	sne.s32 s8, s5;
	v63 =	vmin.f32 v3, v62;
	[tilespmem:$0x4070] =	vst v0  }
.Ltmp1:
0x45: {  	[tilespmem:$0x4090] =	vst v63;
	(pc) =	sbr.rel @p0 .LBB2_1-.Ltmp1, $4  }
0x46: {  	[hbm4b:s4+s2] =	stream.linear.scatter [tilespmem:s7], [sflag:$0x1], $0xA0, $0x38;
	[tilespmem:$0x4100] =	vst v63  }
0x47: {  	_ =	swait.ge [sflag:s6], $0xA0  }
0x48: {  	[sflag:s6] =	ssyncset.done $0x0  }
0x49: {  	[sflag:s6] =	ssyncadd.s32 $0xFFFFFF60  }
0x4a: {  	_ =	sfence.sel $0x180000  }
0x4b: {  	[bflag:$0x0] =	sbarrier.arrive $0xFFFF  }
0x4c: {  	p0 =	sne.s32 s0, $0x0;
	_ =	strace $0x90000047  }
0x4d: {  	s0 =	sadd.s32 @!p0 $0x100000, s1;
	[bflag:$0x2] =	sbarrier.arrive $0xFFFF  }
0x4e: {  	[sflag:s0] =	ssyncadd.tile.s32 @!p0 $0x1;
	_ =	shalt  }
.Lfunc_end2:
_tile_overlayer_lowered:
.L_overlay_start_2:
0x4f: {  	(tag) =	ssettag $0x2  }
0x50: {  	s0 =	rddreg [dreg:$0x0];
	s2 =	stileid.u32  }
0x51: {  	s1 =	rddreg [dreg:$0x1];
	p0 =	sne.s32 s2, $0x0  }
0x52: {  	s3 =	rddreg [dreg:$0x2];
	[bflag:$0x3] =	sbarrier.arrive $0xFFFF;
	s2 =	simm.s32 @!p0 $0x1C01  }
0x53: {  	[timem:s3], [sflag:s2] =	dma.local @!p0 [hbm:s0], s1  }
0x54: {  	s0 =	simm.s32 @!p0 $0x1  }
0x55: {  	_ =	swait.ge @!p0 [sflag:s0], s1  }
0x56: {  	s1 =	ssub.s32 @!p0 $0x0, s1;
	[sflag:s0] =	ssyncset.done @!p0 $0x0  }
0x57: {  	[sflag:s0] =	ssyncadd.s32 @!p0 s1  }
0x58: {  	[bflag:$0x3] =	sbarrier.arrive $0xFFFF  }
0x59: {  	_ =	shalt  }

</sc_bundles>
